<compile_context>
chip_gen: v7x
topology: tpu7x:2x2x1
jax: 0.10.2.dev20260603
libtpu: 0.0.44.dev20260713+nightly
codegen_flags: <defaults>
</compile_context>

<pallas_src>
import functools

import jax
import jax.numpy as jnp
from jax import lax
from jax.experimental import pallas as pl
from jax.experimental.pallas import tpu as pltpu
from jax.experimental.pallas import tpu_sc as plsc

N = 10000
E = 320000
D = 128

NC = 2
NS = 16
NW = NC * NS

EPT = E // NW
CH = 128
NCH = 80
PADE = NCH * CH - EPT
PCH = 40
PH = NCH // PCH
NB = 2
AR = N + 224
ZR = (N // NS) // 8 * 8
ZTAIL = N - NS * ZR


@functools.partial(
    pl.kernel,
    out_type=jax.ShapeDtypeStruct((NC, N, D), jnp.float32),
    mesh=plsc.VectorSubcoreMesh(core_axis_name="c", subcore_axis_name="s"),
    scratch_types=[
        pltpu.VMEM((PCH, CH), jnp.int32),
        pltpu.VMEM((PCH, CH), jnp.int32),
        pltpu.VMEM((CH, D), jnp.float32),
        pltpu.VMEM((CH, D), jnp.float32),
        pltpu.VMEM_SHARED((AR, D), jnp.float32),
        pltpu.SemaphoreType.DMA,
        pltpu.SemaphoreType.DMA,
        pltpu.SemaphoreType.DMA,
        pltpu.SemaphoreType.DMA,
    ],
)
def _sc_aggregate(x_hbm, row_hbm, col_hbm, zero_hbm, out_hbm,
                  row_v, col_v, buf0, buf1, aggr_sh,
                  gs0, gs1, ss0, ss1):
    cid = lax.axis_index("c")
    sid = lax.axis_index("s")
    wid = cid * NS + sid

    pltpu.sync_copy(zero_hbm.at[pl.ds(sid * ZR, ZR)],
                    aggr_sh.at[pl.ds(sid * ZR, ZR)])

    @pl.when(sid == NS - 1)
    def _():
        pltpu.sync_copy(zero_hbm.at[pl.ds(NS * ZR, ZTAIL)],
                        aggr_sh.at[pl.ds(NS * ZR, ZTAIL)])

    plsc.subcore_barrier()

    bufs = (buf0, buf1)
    gsems = (gs0, gs1)
    ssems = (ss0, ss1)

    def start_gather(j, b):
        pltpu.async_copy(x_hbm.at[row_v.at[j]], bufs[b], gsems[b])

    def wait_gather(j, b):
        pltpu.make_async_copy(x_hbm.at[row_v.at[j]], bufs[b], gsems[b]).wait()

    def scatter(j, b):
        return pltpu.async_copy(bufs[b], aggr_sh.at[col_v.at[j]], ssems[b],
                                add=True)

    def phase(p, carry):
        pltpu.sync_copy(row_hbm.at[wid, pl.ds(p * PCH, PCH)], row_v)
        pltpu.sync_copy(col_hbm.at[wid, pl.ds(p * PCH, PCH)], col_v)

        start_gather(0, 0)
        start_gather(1, 1)

        def body(jj, carry):
            for b in range(2):
                j = 2 * jj + b
                wait_gather(j, b)
                scatter(j, b).wait()
                start_gather(j + 2, b)
            return carry

        lax.fori_loop(0, PCH // 2 - 1, body, 0)

        for b in range(2):
            j = PCH - 2 + b
            wait_gather(j, b)
            scatter(j, b).wait()
        return carry

    lax.fori_loop(0, PH, phase, 0)

    plsc.subcore_barrier()

    pltpu.sync_copy(aggr_sh.at[pl.ds(sid * ZR, ZR)],
                    out_hbm.at[cid, pl.ds(sid * ZR, ZR)])

    @pl.when(sid == NS - 1)
    def _():
        pltpu.sync_copy(aggr_sh.at[pl.ds(NS * ZR, ZTAIL)],
                        out_hbm.at[cid, pl.ds(NS * ZR, ZTAIL)])


def _mlp_body(eps_ref, x_ref, a_ref, w1_ref, b1_ref, g_ref, be_ref,
              w2_ref, b2_ref, o_ref):
    out = x_ref[...] * (1.0 + eps_ref[0]) + a_ref[0] + a_ref[1]
    h = lax.dot_general(out, w1_ref[...], (((1,), (1,)), ((), ())),
                        preferred_element_type=jnp.float32) + b1_ref[...]
    mu = jnp.mean(h, axis=0, keepdims=True)
    c = h - mu
    var = jnp.mean(c * c, axis=0, keepdims=True)
    hn = c * lax.rsqrt(var + 1e-5) * g_ref[...] + be_ref[...]
    hn = jnp.maximum(hn, 0.0)
    o_ref[...] = lax.dot_general(hn, w2_ref[...], (((1,), (1,)), ((), ())),
                                 preferred_element_type=jnp.float32) + b2_ref[...]


_mlp = pl.pallas_call(
    _mlp_body,
    out_shape=jax.ShapeDtypeStruct((N, D), jnp.float32),
    in_specs=[
        pl.BlockSpec(memory_space=pltpu.SMEM),
        pl.BlockSpec(memory_space=pltpu.VMEM),
        pl.BlockSpec(memory_space=pltpu.VMEM),
        pl.BlockSpec(memory_space=pltpu.VMEM),
        pl.BlockSpec(memory_space=pltpu.VMEM),
        pl.BlockSpec(memory_space=pltpu.VMEM),
        pl.BlockSpec(memory_space=pltpu.VMEM),
        pl.BlockSpec(memory_space=pltpu.VMEM),
        pl.BlockSpec(memory_space=pltpu.VMEM),
    ],
    out_specs=pl.BlockSpec(memory_space=pltpu.VMEM),
)


def kernel(x, edge_index, eps, W1, b1, bn_gamma, bn_beta, W2, b2):
    ei = edge_index.astype(jnp.int32)
    rpad = jnp.broadcast_to(jnp.arange(PADE, dtype=jnp.int32) * 32 % N,
                            (NW, PADE))
    row = jnp.concatenate([ei[0].reshape(NW, EPT), rpad], axis=1).reshape(
        NW, NCH, CH)
    sink = jnp.broadcast_to(N + (jnp.arange(PADE, dtype=jnp.int32) % 224),
                            (NW, PADE))
    col = jnp.concatenate([ei[1].reshape(NW, EPT), sink], axis=1).reshape(
        NW, NCH, CH)
    zeros = jnp.zeros((N, D), jnp.float32)
    aggr = _sc_aggregate(x, row, col, zeros)
    return _mlp(eps, x, aggr, W1, b1.reshape(1, D), bn_gamma.reshape(1, D),
                bn_beta.reshape(1, D), W2, b2.reshape(1, D))

# --- scband reference (transcript-rebuilt; emitter-appended) ---
"""Pipeline reference for scband-ginconv-layer-5592047419415 (READ-ONLY COPY).

The authoritative reference and input builder live on the scoring server;
editing this copy changes nothing except your own understanding.
"""

import jax, jax.numpy as jnp
import numpy as np

N = 10000
E = 320000
D_IN = 128
D_OUT = 128


def _xavier(key, shape):
    fan_in, fan_out = shape[1], shape[0]
    limit = float(np.sqrt(6.0 / (fan_in + fan_out)))
    return jax.random.uniform(key, shape, dtype=jnp.float32, minval=-limit, maxval=limit)


def setup_inputs(seed: int = 0) -> dict:
    key = jax.random.key(seed)
    k_x, k_e, k_w1, k_w2 = jax.random.split(key, 4)
    x = jax.random.normal(k_x, (N, D_IN), dtype=jnp.float32)
    edge_index = jax.random.randint(k_e, (2, E), 0, N, dtype=jnp.int64)
    eps = jnp.zeros((1,), dtype=jnp.float32)
    W1 = _xavier(k_w1, (D_OUT, D_IN))
    b1 = jnp.zeros((D_OUT,), dtype=jnp.float32)
    bn_gamma = jnp.ones((D_OUT,), dtype=jnp.float32)
    bn_beta = jnp.zeros((D_OUT,), dtype=jnp.float32)
    W2 = _xavier(k_w2, (D_OUT, D_OUT))
    b2 = jnp.zeros((D_OUT,), dtype=jnp.float32)
    return {"x": x, "edge_index": edge_index, "eps": eps, "W1": W1, "b1": b1,
            "bn_gamma": bn_gamma, "bn_beta": bn_beta, "W2": W2, "b2": b2}


def reference(x, edge_index, eps, W1, b1, bn_gamma, bn_beta, W2, b2):
    # GIN aggregation: aggr[col] += x[row]  (scatter-add of gathered source features)
    row = edge_index[0]
    col = edge_index[1]
    aggr = jnp.zeros((x.shape[0], x.shape[1]), dtype=x.dtype).at[col].add(x[row])
    out = (1.0 + eps) * x + aggr
    # MLP: Linear -> BatchNorm1d (training mode, batch stats) -> ReLU -> Linear
    h = out @ W1.T + b1
    mu = jnp.mean(h, axis=0)
    var = jnp.var(h, axis=0)  # biased, matches torch BN normalization
    h = (h - mu) / jnp.sqrt(var + 1e-5) * bn_gamma + bn_beta
    h = jax.nn.relu(h)
    h = h @ W2.T + b2
    return h

if __name__ == "__main__":
    import jax
    _d = setup_inputs()
    print(jax.jit(kernel)(*tuple(_d.values())))

</pallas_src>

<mosaic_0001>
#map = affine_map<(d0, d1) -> (0, 0)>
#map1 = affine_map<(d0, d1) -> (0, 0, 0)>
module attributes {stable_mosaic.version = 14 : i64} {
  func.func @_sc_aggregate(%arg0: i32, %arg1: i32, %arg2: memref<10000x128xf32, #tpu.memory_space<hbm>>, %arg3: memref<32x80x128xi32, #tpu.memory_space<hbm>>, %arg4: memref<32x80x128xi32, #tpu.memory_space<hbm>>, %arg5: memref<10000x128xf32, #tpu.memory_space<hbm>>, %arg6: memref<2x10000x128xf32, #tpu.memory_space<hbm>>, %arg7: memref<40x128xi32, #tpu.memory_space<vmem>>, %arg8: memref<40x128xi32, #tpu.memory_space<vmem>>, %arg9: memref<128x128xf32, #tpu.memory_space<vmem>>, %arg10: memref<128x128xf32, #tpu.memory_space<vmem>>, %arg11: memref<10224x128xf32, #tpu.memory_space<vmem_shared>>, %arg12: memref<!tpu.dma_semaphore, #tpu.memory_space<semaphore_mem>>, %arg13: memref<!tpu.dma_semaphore, #tpu.memory_space<semaphore_mem>>, %arg14: memref<!tpu.dma_semaphore, #tpu.memory_space<semaphore_mem>>, %arg15: memref<!tpu.dma_semaphore, #tpu.memory_space<semaphore_mem>>) attributes {dimension_semantics = [#tpu.dimension_semantics<core_parallel>, #tpu.dimension_semantics<subcore_parallel>], iteration_bounds = array<i64: 2, 16>, scalar_prefetch = 0 : i64, scratch_operands = 9 : i64, tpu.core_type = #tpu.core_type<sc_vector_subcore>, window_params = [{transform_indices = #map}, {transform_indices = #map1}, {transform_indices = #map1}, {transform_indices = #map}, {transform_indices = #map1}]} {
    %mul3A = arith.constant 16 : i32
    %mul3A_0 = arith.muli %arg0, %mul3A : i32
    %add3A = arith.addi %mul3A_0, %arg1 : i32
    %mul3A_1 = arith.constant 624 : i32
    %mul3A_2 = arith.muli %arg1, %mul3A_1 : i32
    %mul3A_3 = arith.constant 624 : i32
    %mul3A_4 = arith.muli %arg1, %mul3A_3 : i32
    "tpu.region"() ({
      %run_scoped3A = tpu.sem_alloc : memref<!tpu.dma_semaphore, #tpu.memory_space<semaphore_mem>>
      %dma_start3A = arith.constant 0 : i32
      %dma_start3A_22 = tpu.memref_slice %arg11[%mul3A_4, %dma_start3A] : memref<10224x128xf32, #tpu.memory_space<vmem_shared>> -> memref<624x128xf32, #tpu.memory_space<vmem_shared>>
      %dma_start3A_23 = arith.constant 0 : i32
      %dma_start3A_24 = tpu.memref_slice %arg5[%mul3A_2, %dma_start3A_23] : memref<10000x128xf32, #tpu.memory_space<hbm>> -> memref<624x128xf32, #tpu.memory_space<hbm>>
      tpu.enqueue_dma source(%dma_start3A_24 : memref<624x128xf32, #tpu.memory_space<hbm>>) target(%dma_start3A_22 : memref<624x128xf32, #tpu.memory_space<vmem_shared>>) target_semaphore(%run_scoped3A : memref<!tpu.dma_semaphore, #tpu.memory_space<semaphore_mem>>)
      %dma_wait3A = arith.constant 0 : i32
      %dma_wait3A_25 = tpu.memref_slice %arg11[%mul3A_4, %dma_wait3A] : memref<10224x128xf32, #tpu.memory_space<vmem_shared>> -> memref<624x128xf32, #tpu.memory_space<vmem_shared>>
      %dma_wait3A_26 = arith.constant 0 : i32
      %dma_wait3A_27 = tpu.memref_slice %arg5[%mul3A_2, %dma_wait3A_26] : memref<10000x128xf32, #tpu.memory_space<hbm>> -> memref<624x128xf32, #tpu.memory_space<hbm>>
      tpu.wait_dma2 semaphore(%run_scoped3A : memref<!tpu.dma_semaphore, #tpu.memory_space<semaphore_mem>>) src(%dma_wait3A_27 : memref<624x128xf32, #tpu.memory_space<hbm>>) dst(%dma_wait3A_25 : memref<624x128xf32, #tpu.memory_space<vmem_shared>>)
      tpu.yield
    }) : () -> ()
    %eq3A = arith.constant 15 : i32
    %eq3A_5 = arith.cmpi eq, %arg1, %eq3A : i32
    %convert_element_type3A = arith.extui %eq3A_5 : i1 to i32
    %cond3A = arith.constant 0 : i32
    %cond3A_6 = arith.cmpi ne, %convert_element_type3A, %cond3A : i32
    scf.if %cond3A_6 {
      "tpu.region"() ({
        %run_scoped3A = tpu.sem_alloc : memref<!tpu.dma_semaphore, #tpu.memory_space<semaphore_mem>>
        %dma_start3A = arith.constant 9984 : i32
        %dma_start3A_22 = arith.constant 0 : i32
        %dma_start3A_23 = tpu.memref_slice %arg11[%dma_start3A, %dma_start3A_22] : memref<10224x128xf32, #tpu.memory_space<vmem_shared>> -> memref<16x128xf32, #tpu.memory_space<vmem_shared>>
        %dma_start3A_24 = arith.constant 9984 : i32
        %dma_start3A_25 = arith.constant 0 : i32
        %dma_start3A_26 = tpu.memref_slice %arg5[%dma_start3A_24, %dma_start3A_25] : memref<10000x128xf32, #tpu.memory_space<hbm>> -> memref<16x128xf32, #tpu.memory_space<hbm>>
        tpu.enqueue_dma source(%dma_start3A_26 : memref<16x128xf32, #tpu.memory_space<hbm>>) target(%dma_start3A_23 : memref<16x128xf32, #tpu.memory_space<vmem_shared>>) target_semaphore(%run_scoped3A : memref<!tpu.dma_semaphore, #tpu.memory_space<semaphore_mem>>)
        %dma_wait3A = arith.constant 9984 : i32
        %dma_wait3A_27 = arith.constant 0 : i32
        %dma_wait3A_28 = tpu.memref_slice %arg11[%dma_wait3A, %dma_wait3A_27] : memref<10224x128xf32, #tpu.memory_space<vmem_shared>> -> memref<16x128xf32, #tpu.memory_space<vmem_shared>>
        %dma_wait3A_29 = arith.constant 9984 : i32
        %dma_wait3A_30 = arith.constant 0 : i32
        %dma_wait3A_31 = tpu.memref_slice %arg5[%dma_wait3A_29, %dma_wait3A_30] : memref<10000x128xf32, #tpu.memory_space<hbm>> -> memref<16x128xf32, #tpu.memory_space<hbm>>
        tpu.wait_dma2 semaphore(%run_scoped3A : memref<!tpu.dma_semaphore, #tpu.memory_space<semaphore_mem>>) src(%dma_wait3A_31 : memref<16x128xf32, #tpu.memory_space<hbm>>) dst(%dma_wait3A_28 : memref<16x128xf32, #tpu.memory_space<vmem_shared>>)
        tpu.yield
      }) : () -> ()
    } else {
    }
    %barrier3A = arith.constant 0 : index
    tpu.barrier barrier_id(%barrier3A)
    %scan3A = arith.constant 0 : i32
    %scan3A_7 = arith.constant 0 : i32
    %scan3A_8 = arith.constant 2 : i32
    %scan3A_9 = arith.addi %scan3A_7, %scan3A_8 : i32
    %scan3A_10 = arith.constant 1 : i32
    scf.for %scan3A_22 = %scan3A_7 to %scan3A_9 step %scan3A_10  : i32 {
      %mul3A_23 = arith.constant 40 : i32
      %mul3A_24 = arith.muli %scan3A_22, %mul3A_23 : i32
      "tpu.region"() ({
        %run_scoped3A = tpu.sem_alloc : memref<!tpu.dma_semaphore, #tpu.memory_space<semaphore_mem>>
        %dma_start3A_87 = arith.constant 0 : i32
        %dma_start3A_88 = tpu.memref_slice %arg3[%add3A, %mul3A_24, %dma_start3A_87] : memref<32x80x128xi32, #tpu.memory_space<hbm>> -> memref<1x40x128xi32, #tpu.memory_space<hbm>>
        %dma_start3A_89 = tpu.memref_squeeze %dma_start3A_88 : memref<1x40x128xi32, #tpu.memory_space<hbm>> -> memref<40x128xi32, #tpu.memory_space<hbm>>
        %dma_start3A_90 = arith.constant 0 : i32
        %dma_start3A_91 = tpu.memref_slice %arg3[%add3A, %mul3A_24, %dma_start3A_90] : memref<32x80x128xi32, #tpu.memory_space<hbm>> -> memref<1x40x128xi32, #tpu.memory_space<hbm>>
        %dma_start3A_92 = tpu.memref_squeeze %dma_start3A_91 : memref<1x40x128xi32, #tpu.memory_space<hbm>> -> memref<40x128xi32, #tpu.memory_space<hbm>>
        tpu.enqueue_dma source(%dma_start3A_92 : memref<40x128xi32, #tpu.memory_space<hbm>>) target(%arg7 : memref<40x128xi32, #tpu.memory_space<vmem>>) target_semaphore(%run_scoped3A : memref<!tpu.dma_semaphore, #tpu.memory_space<semaphore_mem>>)
        %dma_wait3A_93 = arith.constant 0 : i32
        %dma_wait3A_94 = tpu.memref_slice %arg3[%add3A, %mul3A_24, %dma_wait3A_93] : memref<32x80x128xi32, #tpu.memory_space<hbm>> -> memref<1x40x128xi32, #tpu.memory_space<hbm>>
        %dma_wait3A_95 = tpu.memref_squeeze %dma_wait3A_94 : memref<1x40x128xi32, #tpu.memory_space<hbm>> -> memref<40x128xi32, #tpu.memory_space<hbm>>
        %dma_wait3A_96 = arith.constant 0 : i32
        %dma_wait3A_97 = tpu.memref_slice %arg3[%add3A, %mul3A_24, %dma_wait3A_96] : memref<32x80x128xi32, #tpu.memory_space<hbm>> -> memref<1x40x128xi32, #tpu.memory_space<hbm>>
        %dma_wait3A_98 = tpu.memref_squeeze %dma_wait3A_97 : memref<1x40x128xi32, #tpu.memory_space<hbm>> -> memref<40x128xi32, #tpu.memory_space<hbm>>
        tpu.wait_dma2 semaphore(%run_scoped3A : memref<!tpu.dma_semaphore, #tpu.memory_space<semaphore_mem>>) src(%dma_wait3A_98 : memref<40x128xi32, #tpu.memory_space<hbm>>) dst(%arg7 : memref<40x128xi32, #tpu.memory_space<vmem>>)
        tpu.yield
      }) : () -> ()
      %mul3A_25 = arith.constant 40 : i32
      %mul3A_26 = arith.muli %scan3A_22, %mul3A_25 : i32
      "tpu.region"() ({
        %run_scoped3A = tpu.sem_alloc : memref<!tpu.dma_semaphore, #tpu.memory_space<semaphore_mem>>
        %dma_start3A_87 = arith.constant 0 : i32
        %dma_start3A_88 = tpu.memref_slice %arg4[%add3A, %mul3A_26, %dma_start3A_87] : memref<32x80x128xi32, #tpu.memory_space<hbm>> -> memref<1x40x128xi32, #tpu.memory_space<hbm>>
        %dma_start3A_89 = tpu.memref_squeeze %dma_start3A_88 : memref<1x40x128xi32, #tpu.memory_space<hbm>> -> memref<40x128xi32, #tpu.memory_space<hbm>>
        %dma_start3A_90 = arith.constant 0 : i32
        %dma_start3A_91 = tpu.memref_slice %arg4[%add3A, %mul3A_26, %dma_start3A_90] : memref<32x80x128xi32, #tpu.memory_space<hbm>> -> memref<1x40x128xi32, #tpu.memory_space<hbm>>
        %dma_start3A_92 = tpu.memref_squeeze %dma_start3A_91 : memref<1x40x128xi32, #tpu.memory_space<hbm>> -> memref<40x128xi32, #tpu.memory_space<hbm>>
        tpu.enqueue_dma source(%dma_start3A_92 : memref<40x128xi32, #tpu.memory_space<hbm>>) target(%arg8 : memref<40x128xi32, #tpu.memory_space<vmem>>) target_semaphore(%run_scoped3A : memref<!tpu.dma_semaphore, #tpu.memory_space<semaphore_mem>>)
        %dma_wait3A_93 = arith.constant 0 : i32
        %dma_wait3A_94 = tpu.memref_slice %arg4[%add3A, %mul3A_26, %dma_wait3A_93] : memref<32x80x128xi32, #tpu.memory_space<hbm>> -> memref<1x40x128xi32, #tpu.memory_space<hbm>>
        %dma_wait3A_95 = tpu.memref_squeeze %dma_wait3A_94 : memref<1x40x128xi32, #tpu.memory_space<hbm>> -> memref<40x128xi32, #tpu.memory_space<hbm>>
        %dma_wait3A_96 = arith.constant 0 : i32
        %dma_wait3A_97 = tpu.memref_slice %arg4[%add3A, %mul3A_26, %dma_wait3A_96] : memref<32x80x128xi32, #tpu.memory_space<hbm>> -> memref<1x40x128xi32, #tpu.memory_space<hbm>>
        %dma_wait3A_98 = tpu.memref_squeeze %dma_wait3A_97 : memref<1x40x128xi32, #tpu.memory_space<hbm>> -> memref<40x128xi32, #tpu.memory_space<hbm>>
        tpu.wait_dma2 semaphore(%run_scoped3A : memref<!tpu.dma_semaphore, #tpu.memory_space<semaphore_mem>>) src(%dma_wait3A_98 : memref<40x128xi32, #tpu.memory_space<hbm>>) dst(%arg8 : memref<40x128xi32, #tpu.memory_space<vmem>>)
        tpu.yield
      }) : () -> ()
      %dma_start3A = arith.constant 0 : i32
      %dma_start3A_27 = arith.constant 0 : i32
      %dma_start3A_28 = tpu.memref_slice %arg7[%dma_start3A, %dma_start3A_27] : memref<40x128xi32, #tpu.memory_space<vmem>> -> memref<1x128xi32, #tpu.memory_space<vmem>>
      %dma_start3A_29 = tpu.memref_squeeze %dma_start3A_28 : memref<1x128xi32, #tpu.memory_space<vmem>> -> memref<128xi32, #tpu.memory_space<vmem>>
      %dma_start3A_30 = arith.constant 0 : i32
      %dma_start3A_31 = arith.constant 0 : i32
      %dma_start3A_32 = tpu.memref_slice %arg2[%dma_start3A_30, %dma_start3A_31] : memref<10000x128xf32, #tpu.memory_space<hbm>> -> memref<10000x128xf32, #tpu.memory_space<hbm>>
      tpu.enqueue_indirect_dma source(%dma_start3A_32 : memref<10000x128xf32, #tpu.memory_space<hbm>>) target(%arg9 : memref<128x128xf32, #tpu.memory_space<vmem>>) offsets(%dma_start3A_29 : memref<128xi32, #tpu.memory_space<vmem>>) semaphore(%arg12 : memref<!tpu.dma_semaphore, #tpu.memory_space<semaphore_mem>>)
      %dma_start3A_33 = arith.constant 1 : i32
      %dma_start3A_34 = arith.constant 0 : i32
      %dma_start3A_35 = tpu.memref_slice %arg7[%dma_start3A_33, %dma_start3A_34] : memref<40x128xi32, #tpu.memory_space<vmem>> -> memref<1x128xi32, #tpu.memory_space<vmem>>
      %dma_start3A_36 = tpu.memref_squeeze %dma_start3A_35 : memref<1x128xi32, #tpu.memory_space<vmem>> -> memref<128xi32, #tpu.memory_space<vmem>>
      %dma_start3A_37 = arith.constant 0 : i32
      %dma_start3A_38 = arith.constant 0 : i32
      %dma_start3A_39 = tpu.memref_slice %arg2[%dma_start3A_37, %dma_start3A_38] : memref<10000x128xf32, #tpu.memory_space<hbm>> -> memref<10000x128xf32, #tpu.memory_space<hbm>>
      tpu.enqueue_indirect_dma source(%dma_start3A_39 : memref<10000x128xf32, #tpu.memory_space<hbm>>) target(%arg10 : memref<128x128xf32, #tpu.memory_space<vmem>>) offsets(%dma_start3A_36 : memref<128xi32, #tpu.memory_space<vmem>>) semaphore(%arg13 : memref<!tpu.dma_semaphore, #tpu.memory_space<semaphore_mem>>)
      %scan3A_40 = arith.constant 0 : i32
      %scan3A_41 = arith.constant 0 : i32
      %scan3A_42 = arith.constant 19 : i32
      %scan3A_43 = arith.addi %scan3A_41, %scan3A_42 : i32
      %scan3A_44 = arith.constant 1 : i32
      scf.for %scan3A_87 = %scan3A_41 to %scan3A_43 step %scan3A_44  : i32 {
        %mul3A_88 = arith.constant 2 : i32
        %mul3A_89 = arith.muli %mul3A_88, %scan3A_87 : i32
        %add3A_90 = arith.constant 0 : i32
        %add3A_91 = arith.addi %mul3A_89, %add3A_90 : i32
        %dma_wait3A_92 = arith.constant 0 : i32
        %dma_wait3A_93 = tpu.memref_slice %arg7[%add3A_91, %dma_wait3A_92] : memref<40x128xi32, #tpu.memory_space<vmem>> -> memref<1x128xi32, #tpu.memory_space<vmem>>
        %dma_wait3A_94 = tpu.memref_squeeze %dma_wait3A_93 : memref<1x128xi32, #tpu.memory_space<vmem>> -> memref<128xi32, #tpu.memory_space<vmem>>
        %dma_wait3A_95 = arith.constant 0 : i32
        %dma_wait3A_96 = arith.constant 0 : i32
        %dma_wait3A_97 = tpu.memref_slice %arg2[%dma_wait3A_95, %dma_wait3A_96] : memref<10000x128xf32, #tpu.memory_space<hbm>> -> memref<10000x128xf32, #tpu.memory_space<hbm>>
        tpu.wait_indirect_dma semaphore(%arg12 : memref<!tpu.dma_semaphore, #tpu.memory_space<semaphore_mem>>) src(%dma_wait3A_97 : memref<10000x128xf32, #tpu.memory_space<hbm>>) dst(%arg9 : memref<128x128xf32, #tpu.memory_space<vmem>>)
        %dma_start3A_98 = arith.constant 0 : i32
        %dma_start3A_99 = tpu.memref_slice %arg8[%add3A_91, %dma_start3A_98] : memref<40x128xi32, #tpu.memory_space<vmem>> -> memref<1x128xi32, #tpu.memory_space<vmem>>
        %dma_start3A_100 = tpu.memref_squeeze %dma_start3A_99 : memref<1x128xi32, #tpu.memory_space<vmem>> -> memref<128xi32, #tpu.memory_space<vmem>>
        %dma_start3A_101 = arith.constant 0 : i32
        %dma_start3A_102 = arith.constant 0 : i32
        %dma_start3A_103 = tpu.memref_slice %arg11[%dma_start3A_101, %dma_start3A_102] : memref<10224x128xf32, #tpu.memory_space<vmem_shared>> -> memref<10224x128xf32, #tpu.memory_space<vmem_shared>>
        tpu.enqueue_indirect_dma source(%arg9 : memref<128x128xf32, #tpu.memory_space<vmem>>) target(%dma_start3A_103 : memref<10224x128xf32, #tpu.memory_space<vmem_shared>>) offsets(%dma_start3A_100 : memref<128xi32, #tpu.memory_space<vmem>>) semaphore(%arg14 : memref<!tpu.dma_semaphore, #tpu.memory_space<semaphore_mem>>) {add = true}
        %dma_wait3A_104 = arith.constant 0 : i32
        %dma_wait3A_105 = tpu.memref_slice %arg8[%add3A_91, %dma_wait3A_104] : memref<40x128xi32, #tpu.memory_space<vmem>> -> memref<1x128xi32, #tpu.memory_space<vmem>>
        %dma_wait3A_106 = tpu.memref_squeeze %dma_wait3A_105 : memref<1x128xi32, #tpu.memory_space<vmem>> -> memref<128xi32, #tpu.memory_space<vmem>>
        %dma_wait3A_107 = arith.constant 0 : i32
        %dma_wait3A_108 = arith.constant 0 : i32
        %dma_wait3A_109 = tpu.memref_slice %arg11[%dma_wait3A_107, %dma_wait3A_108] : memref<10224x128xf32, #tpu.memory_space<vmem_shared>> -> memref<10224x128xf32, #tpu.memory_space<vmem_shared>>
        tpu.wait_indirect_dma semaphore(%arg14 : memref<!tpu.dma_semaphore, #tpu.memory_space<semaphore_mem>>) src(%arg9 : memref<128x128xf32, #tpu.memory_space<vmem>>) dst(%dma_wait3A_109 : memref<10224x128xf32, #tpu.memory_space<vmem_shared>>)
        %add3A_110 = arith.constant 2 : i32
        %add3A_111 = arith.addi %add3A_91, %add3A_110 : i32
        %dma_start3A_112 = arith.constant 0 : i32
        %dma_start3A_113 = tpu.memref_slice %arg7[%add3A_111, %dma_start3A_112] : memref<40x128xi32, #tpu.memory_space<vmem>> -> memref<1x128xi32, #tpu.memory_space<vmem>>
        %dma_start3A_114 = tpu.memref_squeeze %dma_start3A_113 : memref<1x128xi32, #tpu.memory_space<vmem>> -> memref<128xi32, #tpu.memory_space<vmem>>
        %dma_start3A_115 = arith.constant 0 : i32
        %dma_start3A_116 = arith.constant 0 : i32
        %dma_start3A_117 = tpu.memref_slice %arg2[%dma_start3A_115, %dma_start3A_116] : memref<10000x128xf32, #tpu.memory_space<hbm>> -> memref<10000x128xf32, #tpu.memory_space<hbm>>
        tpu.enqueue_indirect_dma source(%dma_start3A_117 : memref<10000x128xf32, #tpu.memory_space<hbm>>) target(%arg9 : memref<128x128xf32, #tpu.memory_space<vmem>>) offsets(%dma_start3A_114 : memref<128xi32, #tpu.memory_space<vmem>>) semaphore(%arg12 : memref<!tpu.dma_semaphore, #tpu.memory_space<semaphore_mem>>)
        %mul3A_118 = arith.constant 2 : i32
        %mul3A_119 = arith.muli %mul3A_118, %scan3A_87 : i32
        %add3A_120 = arith.constant 1 : i32
        %add3A_121 = arith.addi %mul3A_119, %add3A_120 : i32
        %dma_wait3A_122 = arith.constant 0 : i32
        %dma_wait3A_123 = tpu.memref_slice %arg7[%add3A_121, %dma_wait3A_122] : memref<40x128xi32, #tpu.memory_space<vmem>> -> memref<1x128xi32, #tpu.memory_space<vmem>>
        %dma_wait3A_124 = tpu.memref_squeeze %dma_wait3A_123 : memref<1x128xi32, #tpu.memory_space<vmem>> -> memref<128xi32, #tpu.memory_space<vmem>>
        %dma_wait3A_125 = arith.constant 0 : i32
        %dma_wait3A_126 = arith.constant 0 : i32
        %dma_wait3A_127 = tpu.memref_slice %arg2[%dma_wait3A_125, %dma_wait3A_126] : memref<10000x128xf32, #tpu.memory_space<hbm>> -> memref<10000x128xf32, #tpu.memory_space<hbm>>
        tpu.wait_indirect_dma semaphore(%arg13 : memref<!tpu.dma_semaphore, #tpu.memory_space<semaphore_mem>>) src(%dma_wait3A_127 : memref<10000x128xf32, #tpu.memory_space<hbm>>) dst(%arg10 : memref<128x128xf32, #tpu.memory_space<vmem>>)
        %dma_start3A_128 = arith.constant 0 : i32
        %dma_start3A_129 = tpu.memref_slice %arg8[%add3A_121, %dma_start3A_128] : memref<40x128xi32, #tpu.memory_space<vmem>> -> memref<1x128xi32, #tpu.memory_space<vmem>>
        %dma_start3A_130 = tpu.memref_squeeze %dma_start3A_129 : memref<1x128xi32, #tpu.memory_space<vmem>> -> memref<128xi32, #tpu.memory_space<vmem>>
        %dma_start3A_131 = arith.constant 0 : i32
        %dma_start3A_132 = arith.constant 0 : i32
        %dma_start3A_133 = tpu.memref_slice %arg11[%dma_start3A_131, %dma_start3A_132] : memref<10224x128xf32, #tpu.memory_space<vmem_shared>> -> memref<10224x128xf32, #tpu.memory_space<vmem_shared>>
        tpu.enqueue_indirect_dma source(%arg10 : memref<128x128xf32, #tpu.memory_space<vmem>>) target(%dma_start3A_133 : memref<10224x128xf32, #tpu.memory_space<vmem_shared>>) offsets(%dma_start3A_130 : memref<128xi32, #tpu.memory_space<vmem>>) semaphore(%arg15 : memref<!tpu.dma_semaphore, #tpu.memory_space<semaphore_mem>>) {add = true}
        %dma_wait3A_134 = arith.constant 0 : i32
        %dma_wait3A_135 = tpu.memref_slice %arg8[%add3A_121, %dma_wait3A_134] : memref<40x128xi32, #tpu.memory_space<vmem>> -> memref<1x128xi32, #tpu.memory_space<vmem>>
        %dma_wait3A_136 = tpu.memref_squeeze %dma_wait3A_135 : memref<1x128xi32, #tpu.memory_space<vmem>> -> memref<128xi32, #tpu.memory_space<vmem>>
        %dma_wait3A_137 = arith.constant 0 : i32
        %dma_wait3A_138 = arith.constant 0 : i32
        %dma_wait3A_139 = tpu.memref_slice %arg11[%dma_wait3A_137, %dma_wait3A_138] : memref<10224x128xf32, #tpu.memory_space<vmem_shared>> -> memref<10224x128xf32, #tpu.memory_space<vmem_shared>>
        tpu.wait_indirect_dma semaphore(%arg15 : memref<!tpu.dma_semaphore, #tpu.memory_space<semaphore_mem>>) src(%arg10 : memref<128x128xf32, #tpu.memory_space<vmem>>) dst(%dma_wait3A_139 : memref<10224x128xf32, #tpu.memory_space<vmem_shared>>)
        %add3A_140 = arith.constant 2 : i32
        %add3A_141 = arith.addi %add3A_121, %add3A_140 : i32
        %dma_start3A_142 = arith.constant 0 : i32
        %dma_start3A_143 = tpu.memref_slice %arg7[%add3A_141, %dma_start3A_142] : memref<40x128xi32, #tpu.memory_space<vmem>> -> memref<1x128xi32, #tpu.memory_space<vmem>>
        %dma_start3A_144 = tpu.memref_squeeze %dma_start3A_143 : memref<1x128xi32, #tpu.memory_space<vmem>> -> memref<128xi32, #tpu.memory_space<vmem>>
        %dma_start3A_145 = arith.constant 0 : i32
        %dma_start3A_146 = arith.constant 0 : i32
        %dma_start3A_147 = tpu.memref_slice %arg2[%dma_start3A_145, %dma_start3A_146] : memref<10000x128xf32, #tpu.memory_space<hbm>> -> memref<10000x128xf32, #tpu.memory_space<hbm>>
        tpu.enqueue_indirect_dma source(%dma_start3A_147 : memref<10000x128xf32, #tpu.memory_space<hbm>>) target(%arg10 : memref<128x128xf32, #tpu.memory_space<vmem>>) offsets(%dma_start3A_144 : memref<128xi32, #tpu.memory_space<vmem>>) semaphore(%arg13 : memref<!tpu.dma_semaphore, #tpu.memory_space<semaphore_mem>>)
      }
      %scan3A_45 = arith.constant 19 : i32
      %dma_wait3A = arith.constant 38 : i32
      %dma_wait3A_46 = arith.constant 0 : i32
      %dma_wait3A_47 = tpu.memref_slice %arg7[%dma_wait3A, %dma_wait3A_46] : memref<40x128xi32, #tpu.memory_space<vmem>> -> memref<1x128xi32, #tpu.memory_space<vmem>>
      %dma_wait3A_48 = tpu.memref_squeeze %dma_wait3A_47 : memref<1x128xi32, #tpu.memory_space<vmem>> -> memref<128xi32, #tpu.memory_space<vmem>>
      %dma_wait3A_49 = arith.constant 0 : i32
      %dma_wait3A_50 = arith.constant 0 : i32
      %dma_wait3A_51 = tpu.memref_slice %arg2[%dma_wait3A_49, %dma_wait3A_50] : memref<10000x128xf32, #tpu.memory_space<hbm>> -> memref<10000x128xf32, #tpu.memory_space<hbm>>
      tpu.wait_indirect_dma semaphore(%arg12 : memref<!tpu.dma_semaphore, #tpu.memory_space<semaphore_mem>>) src(%dma_wait3A_51 : memref<10000x128xf32, #tpu.memory_space<hbm>>) dst(%arg9 : memref<128x128xf32, #tpu.memory_space<vmem>>)
      %dma_start3A_52 = arith.constant 38 : i32
      %dma_start3A_53 = arith.constant 0 : i32
      %dma_start3A_54 = tpu.memref_slice %arg8[%dma_start3A_52, %dma_start3A_53] : memref<40x128xi32, #tpu.memory_space<vmem>> -> memref<1x128xi32, #tpu.memory_space<vmem>>
      %dma_start3A_55 = tpu.memref_squeeze %dma_start3A_54 : memref<1x128xi32, #tpu.memory_space<vmem>> -> memref<128xi32, #tpu.memory_space<vmem>>
      %dma_start3A_56 = arith.constant 0 : i32
      %dma_start3A_57 = arith.constant 0 : i32
      %dma_start3A_58 = tpu.memref_slice %arg11[%dma_start3A_56, %dma_start3A_57] : memref<10224x128xf32, #tpu.memory_space<vmem_shared>> -> memref<10224x128xf32, #tpu.memory_space<vmem_shared>>
      tpu.enqueue_indirect_dma source(%arg9 : memref<128x128xf32, #tpu.memory_space<vmem>>) target(%dma_start3A_58 : memref<10224x128xf32, #tpu.memory_space<vmem_shared>>) offsets(%dma_start3A_55 : memref<128xi32, #tpu.memory_space<vmem>>) semaphore(%arg14 : memref<!tpu.dma_semaphore, #tpu.memory_space<semaphore_mem>>) {add = true}
      %dma_wait3A_59 = arith.constant 38 : i32
      %dma_wait3A_60 = arith.constant 0 : i32
      %dma_wait3A_61 = tpu.memref_slice %arg8[%dma_wait3A_59, %dma_wait3A_60] : memref<40x128xi32, #tpu.memory_space<vmem>> -> memref<1x128xi32, #tpu.memory_space<vmem>>
      %dma_wait3A_62 = tpu.memref_squeeze %dma_wait3A_61 : memref<1x128xi32, #tpu.memory_space<vmem>> -> memref<128xi32, #tpu.memory_space<vmem>>
      %dma_wait3A_63 = arith.constant 0 : i32
      %dma_wait3A_64 = arith.constant 0 : i32
      %dma_wait3A_65 = tpu.memref_slice %arg11[%dma_wait3A_63, %dma_wait3A_64] : memref<10224x128xf32, #tpu.memory_space<vmem_shared>> -> memref<10224x128xf32, #tpu.memory_space<vmem_shared>>
      tpu.wait_indirect_dma semaphore(%arg14 : memref<!tpu.dma_semaphore, #tpu.memory_space<semaphore_mem>>) src(%arg9 : memref<128x128xf32, #tpu.memory_space<vmem>>) dst(%dma_wait3A_65 : memref<10224x128xf32, #tpu.memory_space<vmem_shared>>)
      %dma_wait3A_66 = arith.constant 39 : i32
      %dma_wait3A_67 = arith.constant 0 : i32
      %dma_wait3A_68 = tpu.memref_slice %arg7[%dma_wait3A_66, %dma_wait3A_67] : memref<40x128xi32, #tpu.memory_space<vmem>> -> memref<1x128xi32, #tpu.memory_space<vmem>>
      %dma_wait3A_69 = tpu.memref_squeeze %dma_wait3A_68 : memref<1x128xi32, #tpu.memory_space<vmem>> -> memref<128xi32, #tpu.memory_space<vmem>>
      %dma_wait3A_70 = arith.constant 0 : i32
      %dma_wait3A_71 = arith.constant 0 : i32
      %dma_wait3A_72 = tpu.memref_slice %arg2[%dma_wait3A_70, %dma_wait3A_71] : memref<10000x128xf32, #tpu.memory_space<hbm>> -> memref<10000x128xf32, #tpu.memory_space<hbm>>
      tpu.wait_indirect_dma semaphore(%arg13 : memref<!tpu.dma_semaphore, #tpu.memory_space<semaphore_mem>>) src(%dma_wait3A_72 : memref<10000x128xf32, #tpu.memory_space<hbm>>) dst(%arg10 : memref<128x128xf32, #tpu.memory_space<vmem>>)
      %dma_start3A_73 = arith.constant 39 : i32
      %dma_start3A_74 = arith.constant 0 : i32
      %dma_start3A_75 = tpu.memref_slice %arg8[%dma_start3A_73, %dma_start3A_74] : memref<40x128xi32, #tpu.memory_space<vmem>> -> memref<1x128xi32, #tpu.memory_space<vmem>>
      %dma_start3A_76 = tpu.memref_squeeze %dma_start3A_75 : memref<1x128xi32, #tpu.memory_space<vmem>> -> memref<128xi32, #tpu.memory_space<vmem>>
      %dma_start3A_77 = arith.constant 0 : i32
      %dma_start3A_78 = arith.constant 0 : i32
      %dma_start3A_79 = tpu.memref_slice %arg11[%dma_start3A_77, %dma_start3A_78] : memref<10224x128xf32, #tpu.memory_space<vmem_shared>> -> memref<10224x128xf32, #tpu.memory_space<vmem_shared>>
      tpu.enqueue_indirect_dma source(%arg10 : memref<128x128xf32, #tpu.memory_space<vmem>>) target(%dma_start3A_79 : memref<10224x128xf32, #tpu.memory_space<vmem_shared>>) offsets(%dma_start3A_76 : memref<128xi32, #tpu.memory_space<vmem>>) semaphore(%arg15 : memref<!tpu.dma_semaphore, #tpu.memory_space<semaphore_mem>>) {add = true}
      %dma_wait3A_80 = arith.constant 39 : i32
      %dma_wait3A_81 = arith.constant 0 : i32
      %dma_wait3A_82 = tpu.memref_slice %arg8[%dma_wait3A_80, %dma_wait3A_81] : memref<40x128xi32, #tpu.memory_space<vmem>> -> memref<1x128xi32, #tpu.memory_space<vmem>>
      %dma_wait3A_83 = tpu.memref_squeeze %dma_wait3A_82 : memref<1x128xi32, #tpu.memory_space<vmem>> -> memref<128xi32, #tpu.memory_space<vmem>>
      %dma_wait3A_84 = arith.constant 0 : i32
      %dma_wait3A_85 = arith.constant 0 : i32
      %dma_wait3A_86 = tpu.memref_slice %arg11[%dma_wait3A_84, %dma_wait3A_85] : memref<10224x128xf32, #tpu.memory_space<vmem_shared>> -> memref<10224x128xf32, #tpu.memory_space<vmem_shared>>
      tpu.wait_indirect_dma semaphore(%arg15 : memref<!tpu.dma_semaphore, #tpu.memory_space<semaphore_mem>>) src(%arg10 : memref<128x128xf32, #tpu.memory_space<vmem>>) dst(%dma_wait3A_86 : memref<10224x128xf32, #tpu.memory_space<vmem_shared>>)
    }
    %scan3A_11 = arith.constant 2 : i32
    %barrier3A_12 = arith.constant 0 : index
    tpu.barrier barrier_id(%barrier3A_12)
    %mul3A_13 = arith.constant 624 : i32
    %mul3A_14 = arith.muli %arg1, %mul3A_13 : i32
    %mul3A_15 = arith.constant 624 : i32
    %mul3A_16 = arith.muli %arg1, %mul3A_15 : i32
    "tpu.region"() ({
      %run_scoped3A = tpu.sem_alloc : memref<!tpu.dma_semaphore, #tpu.memory_space<semaphore_mem>>
      %dma_start3A = arith.constant 0 : i32
      %dma_start3A_22 = tpu.memref_slice %arg6[%arg0, %mul3A_16, %dma_start3A] : memref<2x10000x128xf32, #tpu.memory_space<hbm>> -> memref<1x624x128xf32, #tpu.memory_space<hbm>>
      %dma_start3A_23 = tpu.memref_squeeze %dma_start3A_22 : memref<1x624x128xf32, #tpu.memory_space<hbm>> -> memref<624x128xf32, #tpu.memory_space<hbm>>
      %dma_start3A_24 = arith.constant 0 : i32
      %dma_start3A_25 = tpu.memref_slice %arg11[%mul3A_14, %dma_start3A_24] : memref<10224x128xf32, #tpu.memory_space<vmem_shared>> -> memref<624x128xf32, #tpu.memory_space<vmem_shared>>
      tpu.enqueue_dma source(%dma_start3A_25 : memref<624x128xf32, #tpu.memory_space<vmem_shared>>) target(%dma_start3A_23 : memref<624x128xf32, #tpu.memory_space<hbm>>) target_semaphore(%run_scoped3A : memref<!tpu.dma_semaphore, #tpu.memory_space<semaphore_mem>>)
      %dma_wait3A = arith.constant 0 : i32
      %dma_wait3A_26 = tpu.memref_slice %arg6[%arg0, %mul3A_16, %dma_wait3A] : memref<2x10000x128xf32, #tpu.memory_space<hbm>> -> memref<1x624x128xf32, #tpu.memory_space<hbm>>
      %dma_wait3A_27 = tpu.memref_squeeze %dma_wait3A_26 : memref<1x624x128xf32, #tpu.memory_space<hbm>> -> memref<624x128xf32, #tpu.memory_space<hbm>>
      %dma_wait3A_28 = arith.constant 0 : i32
      %dma_wait3A_29 = tpu.memref_slice %arg11[%mul3A_14, %dma_wait3A_28] : memref<10224x128xf32, #tpu.memory_space<vmem_shared>> -> memref<624x128xf32, #tpu.memory_space<vmem_shared>>
      tpu.wait_dma2 semaphore(%run_scoped3A : memref<!tpu.dma_semaphore, #tpu.memory_space<semaphore_mem>>) src(%dma_wait3A_29 : memref<624x128xf32, #tpu.memory_space<vmem_shared>>) dst(%dma_wait3A_27 : memref<624x128xf32, #tpu.memory_space<hbm>>)
      tpu.yield
    }) : () -> ()
    %eq3A_17 = arith.constant 15 : i32
    %eq3A_18 = arith.cmpi eq, %arg1, %eq3A_17 : i32
    %convert_element_type3A_19 = arith.extui %eq3A_18 : i1 to i32
    %cond3A_20 = arith.constant 0 : i32
    %cond3A_21 = arith.cmpi ne, %convert_element_type3A_19, %cond3A_20 : i32
    scf.if %cond3A_21 {
      "tpu.region"() ({
        %run_scoped3A = tpu.sem_alloc : memref<!tpu.dma_semaphore, #tpu.memory_space<semaphore_mem>>
        %dma_start3A = arith.constant 9984 : i32
        %dma_start3A_22 = arith.constant 0 : i32
        %dma_start3A_23 = tpu.memref_slice %arg6[%arg0, %dma_start3A, %dma_start3A_22] : memref<2x10000x128xf32, #tpu.memory_space<hbm>> -> memref<1x16x128xf32, #tpu.memory_space<hbm>>
        %dma_start3A_24 = tpu.memref_squeeze %dma_start3A_23 : memref<1x16x128xf32, #tpu.memory_space<hbm>> -> memref<16x128xf32, #tpu.memory_space<hbm>>
        %dma_start3A_25 = arith.constant 9984 : i32
        %dma_start3A_26 = arith.constant 0 : i32
        %dma_start3A_27 = tpu.memref_slice %arg11[%dma_start3A_25, %dma_start3A_26] : memref<10224x128xf32, #tpu.memory_space<vmem_shared>> -> memref<16x128xf32, #tpu.memory_space<vmem_shared>>
        tpu.enqueue_dma source(%dma_start3A_27 : memref<16x128xf32, #tpu.memory_space<vmem_shared>>) target(%dma_start3A_24 : memref<16x128xf32, #tpu.memory_space<hbm>>) target_semaphore(%run_scoped3A : memref<!tpu.dma_semaphore, #tpu.memory_space<semaphore_mem>>)
        %dma_wait3A = arith.constant 9984 : i32
        %dma_wait3A_28 = arith.constant 0 : i32
        %dma_wait3A_29 = tpu.memref_slice %arg6[%arg0, %dma_wait3A, %dma_wait3A_28] : memref<2x10000x128xf32, #tpu.memory_space<hbm>> -> memref<1x16x128xf32, #tpu.memory_space<hbm>>
        %dma_wait3A_30 = tpu.memref_squeeze %dma_wait3A_29 : memref<1x16x128xf32, #tpu.memory_space<hbm>> -> memref<16x128xf32, #tpu.memory_space<hbm>>
        %dma_wait3A_31 = arith.constant 9984 : i32
        %dma_wait3A_32 = arith.constant 0 : i32
        %dma_wait3A_33 = tpu.memref_slice %arg11[%dma_wait3A_31, %dma_wait3A_32] : memref<10224x128xf32, #tpu.memory_space<vmem_shared>> -> memref<16x128xf32, #tpu.memory_space<vmem_shared>>
        tpu.wait_dma2 semaphore(%run_scoped3A : memref<!tpu.dma_semaphore, #tpu.memory_space<semaphore_mem>>) src(%dma_wait3A_33 : memref<16x128xf32, #tpu.memory_space<vmem_shared>>) dst(%dma_wait3A_30 : memref<16x128xf32, #tpu.memory_space<hbm>>)
        tpu.yield
      }) : () -> ()
    } else {
    }
    return
  }
}

module attributes {stable_mosaic.version = 14 : i64} {
  func.func @_mlp_body(%arg0: memref<1xf32, #tpu.memory_space<smem>>, %arg1: memref<10000x128xf32, #tpu.memory_space<vmem>>, %arg2: memref<2x10000x128xf32, #tpu.memory_space<vmem>>, %arg3: memref<128x128xf32, #tpu.memory_space<vmem>>, %arg4: memref<1x128xf32, #tpu.memory_space<vmem>>, %arg5: memref<1x128xf32, #tpu.memory_space<vmem>>, %arg6: memref<1x128xf32, #tpu.memory_space<vmem>>, %arg7: memref<128x128xf32, #tpu.memory_space<vmem>>, %arg8: memref<1x128xf32, #tpu.memory_space<vmem>>, %arg9: memref<10000x128xf32, #tpu.memory_space<vmem>>) attributes {dimension_semantics = [], scalar_prefetch = 0 : i64, scratch_operands = 0 : i64, tpu.core_type = #tpu.core_type<tc>} {
    %get3A = arith.constant 0 : index
    %get3A_0 = arith.constant 0 : index
    %get3A_1 = vector.load %arg1[%get3A, %get3A_0] : memref<10000x128xf32, #tpu.memory_space<vmem>>, vector<10000x128xf32>
    %get3A_2 = arith.constant 0 : index
    %get3A_3 = memref.load %arg0[%get3A_2] : memref<1xf32, #tpu.memory_space<smem>>
    %add3A = arith.constant 1.000000e+00 : f32
    %add3A_4 = arith.addf %add3A, %get3A_3 : f32
    %mul3A = vector.broadcast %add3A_4 : f32 to vector<10000x128xf32>
    %mul3A_5 = arith.mulf %get3A_1, %mul3A : vector<10000x128xf32>
    %get3A_6 = arith.constant 0 : index
    %get3A_7 = arith.constant 0 : index
    %get3A_8 = arith.constant 0 : index
    %get3A_9 = vector.load %arg2[%get3A_6, %get3A_7, %get3A_8] : memref<2x10000x128xf32, #tpu.memory_space<vmem>>, vector<1x10000x128xf32>
    %get3A_10 = vector.shape_cast %get3A_9 : vector<1x10000x128xf32> to vector<10000x128xf32>
    %add3A_11 = arith.addf %mul3A_5, %get3A_10 : vector<10000x128xf32>
    %get3A_12 = arith.constant 1 : index
    %get3A_13 = arith.constant 0 : index
    %get3A_14 = arith.constant 0 : index
    %get3A_15 = vector.load %arg2[%get3A_12, %get3A_13, %get3A_14] : memref<2x10000x128xf32, #tpu.memory_space<vmem>>, vector<1x10000x128xf32>
    %get3A_16 = vector.shape_cast %get3A_15 : vector<1x10000x128xf32> to vector<10000x128xf32>
    %add3A_17 = arith.addf %add3A_11, %get3A_16 : vector<10000x128xf32>
    %get3A_18 = arith.constant 0 : index
    %get3A_19 = arith.constant 0 : index
    %get3A_20 = vector.load %arg3[%get3A_18, %get3A_19] : memref<128x128xf32, #tpu.memory_space<vmem>>, vector<128x128xf32>
    %dot_general3A = arith.constant dense<0.000000e+00> : vector<10000x128xf32>
    %dot_general3A_21 = tpu.matmul %add3A_17, %get3A_20, %dot_general3A {dimension_numbers = #tpu.dot_dimension_numbers<[1], [1], [0], [0], [0, 0, 1, 0], [], []>, transpose_lhs_hint = false} : vector<10000x128xf32>, vector<128x128xf32>, vector<10000x128xf32> -> vector<10000x128xf32>
    %get3A_22 = arith.constant 0 : index
    %get3A_23 = arith.constant 0 : index
    %get3A_24 = vector.load %arg4[%get3A_22, %get3A_23] : memref<1x128xf32, #tpu.memory_space<vmem>>, vector<1x128xf32>
    %add3A_25 = vector.broadcast %get3A_24 : vector<1x128xf32> to vector<10000x128xf32>
    %add3A_26 = arith.addf %dot_general3A_21, %add3A_25 : vector<10000x128xf32>
    %reduce_sum3A = arith.constant dense<0.000000e+00> : vector<128xf32>
    %reduce_sum3A_27 = vector.multi_reduction <add>, %add3A_26, %reduce_sum3A [0] : vector<10000x128xf32> to vector<128xf32>
    %broadcast_in_dim3A = vector.shape_cast %reduce_sum3A_27 : vector<128xf32> to vector<1x128xf32>
    %div3A = arith.constant 1.000000e+04 : f32
    %div3A_28 = vector.broadcast %div3A : f32 to vector<1x128xf32>
    %div3A_29 = arith.divf %broadcast_in_dim3A, %div3A_28 : vector<1x128xf32>
    %sub3A = vector.broadcast %div3A_29 : vector<1x128xf32> to vector<10000x128xf32>
    %sub3A_30 = arith.subf %add3A_26, %sub3A : vector<10000x128xf32>
    %mul3A_31 = arith.mulf %sub3A_30, %sub3A_30 : vector<10000x128xf32>
    %reduce_sum3A_32 = arith.constant dense<0.000000e+00> : vector<128xf32>
    %reduce_sum3A_33 = vector.multi_reduction <add>, %mul3A_31, %reduce_sum3A_32 [0] : vector<10000x128xf32> to vector<128xf32>
    %broadcast_in_dim3A_34 = vector.shape_cast %reduce_sum3A_33 : vector<128xf32> to vector<1x128xf32>
    %div3A_35 = arith.constant 1.000000e+04 : f32
    %div3A_36 = vector.broadcast %div3A_35 : f32 to vector<1x128xf32>
    %div3A_37 = arith.divf %broadcast_in_dim3A_34, %div3A_36 : vector<1x128xf32>
    %add3A_38 = arith.constant 9.99999974E-6 : f32
    %add3A_39 = vector.broadcast %add3A_38 : f32 to vector<1x128xf32>
    %add3A_40 = arith.addf %div3A_37, %add3A_39 : vector<1x128xf32>
    %rsqrt3A = math.rsqrt %add3A_40 : vector<1x128xf32>
    %mul3A_41 = vector.broadcast %rsqrt3A : vector<1x128xf32> to vector<10000x128xf32>
    %mul3A_42 = arith.mulf %sub3A_30, %mul3A_41 : vector<10000x128xf32>
    %get3A_43 = arith.constant 0 : index
    %get3A_44 = arith.constant 0 : index
    %get3A_45 = vector.load %arg5[%get3A_43, %get3A_44] : memref<1x128xf32, #tpu.memory_space<vmem>>, vector<1x128xf32>
    %mul3A_46 = vector.broadcast %get3A_45 : vector<1x128xf32> to vector<10000x128xf32>
    %mul3A_47 = arith.mulf %mul3A_42, %mul3A_46 : vector<10000x128xf32>
    %get3A_48 = arith.constant 0 : index
    %get3A_49 = arith.constant 0 : index
    %get3A_50 = vector.load %arg6[%get3A_48, %get3A_49] : memref<1x128xf32, #tpu.memory_space<vmem>>, vector<1x128xf32>
    %add3A_51 = vector.broadcast %get3A_50 : vector<1x128xf32> to vector<10000x128xf32>
    %add3A_52 = arith.addf %mul3A_47, %add3A_51 : vector<10000x128xf32>
    %max3A = arith.constant 0.000000e+00 : f32
    %max3A_53 = vector.broadcast %max3A : f32 to vector<10000x128xf32>
    %max3A_54 = arith.maximumf %add3A_52, %max3A_53 : vector<10000x128xf32>
    %get3A_55 = arith.constant 0 : index
    %get3A_56 = arith.constant 0 : index
    %get3A_57 = vector.load %arg7[%get3A_55, %get3A_56] : memref<128x128xf32, #tpu.memory_space<vmem>>, vector<128x128xf32>
    %dot_general3A_58 = arith.constant dense<0.000000e+00> : vector<10000x128xf32>
    %dot_general3A_59 = tpu.matmul %max3A_54, %get3A_57, %dot_general3A_58 {dimension_numbers = #tpu.dot_dimension_numbers<[1], [1], [0], [0], [0, 0, 1, 0], [], []>, transpose_lhs_hint = false} : vector<10000x128xf32>, vector<128x128xf32>, vector<10000x128xf32> -> vector<10000x128xf32>
    %get3A_60 = arith.constant 0 : index
    %get3A_61 = arith.constant 0 : index
    %get3A_62 = vector.load %arg8[%get3A_60, %get3A_61] : memref<1x128xf32, #tpu.memory_space<vmem>>, vector<1x128xf32>
    %add3A_63 = vector.broadcast %get3A_62 : vector<1x128xf32> to vector<10000x128xf32>
    %add3A_64 = arith.addf %dot_general3A_59, %add3A_63 : vector<10000x128xf32>
    %swap3A = arith.constant 0 : index
    %swap3A_65 = arith.constant 0 : index
    %swap3A_66 = vector.load %arg9[%swap3A, %swap3A_65] : memref<10000x128xf32, #tpu.memory_space<vmem>>, vector<10000x128xf32>
    tpu.vector_store %arg9[%swap3A, %swap3A_65], %add3A_64 {strides = array<i32>} : memref<10000x128xf32, #tpu.memory_space<vmem>>, vector<10000x128xf32>,
    return
  }
}

</mosaic_0001>

<sc_bundles>
// kernel: kernel.4.cloned.1.call-start
scs
__scs_entry_jumppad:
0x0: {  	(pc) =	sbr.rel $0x88, $3  }
0x1: {  	(tag) =	ssettag $0x0;
	lr =	simm.s32 $0x1  }
0x2: {  	[smem:$0x3F98] =	sst lr;
	_ =	strace $0xD0000000  }
0x3: {  	_ = 	snop  }
0x4: {  	_ = 	snop  }
0x5: {  	_ = 	snop  }
0x6: {  	_ = 	snop  }
0x7: {  	_ = 	snop  }
__scs_overlays_trampoline_lowered:
0x8: {  	[smem:$0x3FA7] =	sst s0  }
0x9: {  	[smem:$0x3FA8] =	sst s1  }
0xa: {  	[smem:$0x3FA9] =	sst s2  }
0xb: {  	[smem:$0x3FAA] =	sst s3  }
0xc: {  	[smem:$0x3FAB] =	sst s4  }
0xd: {  	[smem:$0x3FAC] =	sst s5  }
0xe: {  	[smem:$0x3FAD] =	sst s6  }
0xf: {  	[smem:$0x3FAE] =	sst s7  }
0x10: {  	[smem:$0x3FAF] =	sst s8  }
0x11: {  	[smem:$0x3FB0] =	sst s9;
	s0 =	simm.s32 @!p0 $0x0  }
0x12: {  	s1 =	sld [smem:$0x3F96];
	s0 =	simm.s32 @p0 $0x1  }
0x13: {  	[smem:$0x3FB1] =	sst s0;
	s0 =	simm.s32 @!p1 $0x0  }
0x14: {  	s2 =	sld [smem:$0x3F95];
	s0 =	simm.s32 @p1 $0x1  }
0x15: {  	[smem:$0x3FB2] =	sst s0;
	s0 =	simm.s32 @!p2 $0x0  }
0x16: {  	s3 =	sld [smem:$0x3FDB];
	s0 =	simm.s32 @p2 $0x1  }
0x17: {  	s4 =	simm.s32 $0x1BF5;
	[smem:$0x3FB4] =	sst s0  }
0x18: {  	s0 =	sld [smem:$0x3F97];
	_ =	swait.ge [sflag:s4], $0x0  }
0x19: {  	s7 =	sld [smem:$0x3F98]  }
0x1a: {  	s8 =	sadd.s32 $0xFFFFE003, lr  }
0x1b: {  	s9 =	sadd.s32 $0xFFFFFEF7, lr;
	s5 =	simm.s32 $0xFFFFFFFF;
	p2 =	slt.u32 s8, $0xFFFFF086  }
0x1c: {  	p1 =	slt.u32 s9, $0xF7A;
	s5 =	simm.s32 @!p2 $0x0  }
0x1d: {  	s5 =	simm.s32 @p1 $0x1;
	p0 =	seq.s32 s7, s2  }
0x1e: {  	s7 =	smul.u32 @!p0 $0xF7A, s2;
	p2 =	seq.s32 @!p0 s5, $0x0  }
0x1f: {  	s9 =	smul.u32 $0xF7A, s1;
	s8 =	simm.s32 @!p0 $0x1BF5;
	p2 =	por !p2, p0  }
0x20: {  	[sflag:s8] =	ssyncset.s32 @!p0 $0xFFFFF086;
	s6 =	sadd.s32 @!p0 s3, s7;
	s7 =	simm.s32 @!p0 $0x108  }
0x21: {  	s3 =	sadd.s32 s3, s9;
	s6 =	sadd.s32 @!p0 $0x88, s6;
	s7 =	simm.s32 @p2 $0x1082  }
0x22: {  	[simem:s7], [sflag:s8] =	dma.local @!p0 [hbm:s6], $0xF7A  }
0x23: {  	s9 =	sor.u32 $0xD0000000, s2;
	s6 =	simm.s32 $0x108;
	_ =	swait.ge @!p0 [sflag:s8], $0x0  }
0x24: {  	s3 =	sadd.s32 $0x88, s3;
	s6 =	simm.s32 @!p1 $0x1082;
	[sflag:s4] =	ssyncset.s32 $0xFFFFF086  }
0x25: {  	[simem:s6], [sflag:s4] =	dma.local [hbm:s3], $0xF7A  }
0x26: {  	[smem:$0x3F98] =	sst s1;
	(tag) =	ssettag s2;
	_ =	strace s9  }
0x27: {  	s1 =	sld [smem:$0x3FA8]  }
0x28: {  	s2 =	sld [smem:$0x3FA9]  }
0x29: {  	s4 =	sld [smem:$0x3FAB]  }
0x2a: {  	p0 =	seq.s32 s5, $0x0;
	s5 =	sld [smem:$0x3FAC]  }
0x2b: {  	s6 =	sld [smem:$0x3FAD]  }
0x2c: {  	s7 =	sld [smem:$0x3FAE]  }
0x2d: {  	s3 =	simm.s32 $0x108;
	s8 =	sld [smem:$0x3FAF]  }
0x2e: {  	s3 =	simm.s32 @!p0 $0x1082;
	s9 =	sld [smem:$0x3FB0]  }
0x2f: {  	lr =	sadd.s32 s0, s3;
	s0 =	sld [smem:$0x3FA7]  }
0x30: {  	s3 =	sld [smem:$0x3FAA]  }
0x31: {  	[smem:$0x3FB3] =	sst s10  }
0x32: {  	s10 =	sld [smem:$0x3FB1];
	_ =	sdelay $0x3  }
0x33: {  	p0 =	seq.s32 s10, $0x1;
	s10 =	sld [smem:$0x3FB3];
	_ =	sdelay $0x3  }
0x34: {  	[smem:$0x3FB3] =	sst s10  }
0x35: {  	s10 =	sld [smem:$0x3FB2];
	_ =	sdelay $0x3  }
0x36: {  	p1 =	seq.s32 s10, $0x1;
	s10 =	sld [smem:$0x3FB3];
	_ =	sdelay $0x3  }
0x37: {  	[smem:$0x3FB3] =	sst s10  }
0x38: {  	s10 =	sld [smem:$0x3FB4]  }
0x39: {  	_ = 	snop;
	(pc) =	sbr.ind lr, $3  }
0x3a: {  	_ = 	snop  }
0x3b: {  	_ = 	snop  }
0x3c: {  	p2 =	seq.s32 s10, $0x1;
	s10 =	sld [smem:$0x3FB3]  }
0x3d: {  	_ =	shalt  }
0x3e: {  	_ =	shalt  }
0x3f: {  	_ =	shalt  }
0x40: {  	_ =	shalt  }
0x41: {  	_ =	shalt  }
0x42: {  	_ =	shalt  }
0x43: {  	_ =	shalt  }
0x44: {  	_ =	shalt  }
0x45: {  	_ =	shalt  }
0x46: {  	_ =	shalt  }
0x47: {  	_ =	shalt  }
0x48: {  	_ =	shalt  }
0x49: {  	_ =	shalt  }
0x4a: {  	_ =	shalt  }
0x4b: {  	_ =	shalt  }
0x4c: {  	_ =	shalt  }
0x4d: {  	_ =	shalt  }
0x4e: {  	_ =	shalt  }
0x4f: {  	_ =	shalt  }
0x50: {  	_ =	shalt  }
0x51: {  	_ =	shalt  }
0x52: {  	_ =	shalt  }
0x53: {  	_ =	shalt  }
0x54: {  	_ =	shalt  }
0x55: {  	_ =	shalt  }
0x56: {  	_ =	shalt  }
0x57: {  	_ =	shalt  }
0x58: {  	_ =	shalt  }
0x59: {  	_ =	shalt  }
0x5a: {  	_ =	shalt  }
0x5b: {  	_ =	shalt  }
0x5c: {  	_ =	shalt  }
0x5d: {  	_ =	shalt  }
0x5e: {  	_ =	shalt  }
0x5f: {  	_ =	shalt  }
0x60: {  	_ =	shalt  }
0x61: {  	_ =	shalt  }
0x62: {  	_ =	shalt  }
0x63: {  	_ =	shalt  }
0x64: {  	_ =	shalt  }
0x65: {  	_ =	shalt  }
0x66: {  	_ =	shalt  }
0x67: {  	_ =	shalt  }
0x68: {  	_ =	shalt  }
0x69: {  	_ =	shalt  }
0x6a: {  	_ =	shalt  }
0x6b: {  	_ =	shalt  }
0x6c: {  	_ =	shalt  }
0x6d: {  	_ =	shalt  }
0x6e: {  	_ =	shalt  }
0x6f: {  	_ =	shalt  }
0x70: {  	_ =	shalt  }
0x71: {  	_ =	shalt  }
0x72: {  	_ =	shalt  }
0x73: {  	_ =	shalt  }
0x74: {  	_ =	shalt  }
0x75: {  	_ =	shalt  }
0x76: {  	_ =	shalt  }
0x77: {  	_ =	shalt  }
0x78: {  	_ =	shalt  }
0x79: {  	_ =	shalt  }
0x7a: {  	_ =	shalt  }
0x7b: {  	_ =	shalt  }
0x7c: {  	_ =	shalt  }
0x7d: {  	_ =	shalt  }
0x7e: {  	_ =	shalt  }
0x7f: {  	_ =	shalt  }
0x80: {  	_ =	shalt  }
0x81: {  	_ =	shalt  }
0x82: {  	_ =	shalt  }
0x83: {  	_ =	shalt  }
0x84: {  	_ =	shalt  }
0x85: {  	_ =	shalt  }
0x86: {  	_ =	shalt  }
0x87: {  	_ =	shalt  }
.Lfunc_end0:
.L_simem_size_0:
called_computation_lowered:
.L_overlay_start_0:
0x88: {  	s2 =	sld [smem:$0x3FD9]  }
0x89: {  	s3 =	sld [smem:$0x3FFE];
	_ =	sdelay $0x1  }
0x8a: {  	s1 =	srdreg.scid  }
0x8b: {  	s0 =	sand.u32 $0x1, s1  }
0x8c: {  	s17 =	sshll.u32 s0, $0xA;
	s2 =	sadd.s32 s3, s2  }
0x8d: {  	s2 =	sadd.s32 s2, s17  }
0x8e: {  	[smem:$0x3FBF] =	sst s2  }
0x8f: {  	_ = 	snop  }
0x90: {  	s2 =	sld [smem:$0x3FC9]  }
0x91: {  	s18 =	sld [smem:$0x3FD0];
	(tm) =	ssettm $0x1  }
0x92: {  	s4 =	sld [smem:$0x3FFB];
	_ =	sdelay $0x3  }
0x93: {  	_ =	strace s4  }
0x94: {  	s4 =	sld [smem:$0x3FFC];
	_ =	sdelay $0x3  }
0x95: {  	_ =	strace s4  }
0x96: {  	s4 =	sld [smem:$0x3FFD];
	_ =	sdelay $0x3  }
0x97: {  	_ =	strace s4  }
0x98: {  	_ =	strace $0x8FFFFFFF  }
0x99: {  	s19 =	sld [smem:$0x3FDB];
	_ =	sdelay $0x1  }
0x9a: {  	s5 =	simm.s32 $_scs_section_size  }
0x9b: {  	s6 =	simm.s32 $_size__tile_overlayer_lowered;
	s7 =	simm.s32 $_tile_overlayer_lowered  }
0x9c: {  	s22 =	simm.s32 $0x1BFF;
	s21 =	sshll.u32 s7, $0x1;
	s4 =	sadd.s32 s5, s19  }
0x9d: {  	s8 =	simm.s32 $0x0;
	s20 =	sshll.u32 s6, $0x1;
	s6 =	sadd.s32 s21, s4  }
0x9e: {  	[timem:s8], [sflag:s22] =	dma.local [hbm:s6], s20  }
0x9f: {  	_ =	swait.ge [sflag:s22], s20  }
0xa0: {  	s5 =	ssub.s32 $0x0, s20;
	[sflag:s22] =	ssyncset.done $0x0  }
0xa1: {  	[sflag:s22] =	ssyncadd.s32 s5;
	_ =	sdelay $0x1  }
0xa2: {  	s23 =	simm.s32 $0x1B8B  }
0xa3: {  	_ =	swait.ge [sflag:s23], $0x1  }
0xa4: {  	[sflag:s23] =	ssyncset.done $0x0  }
0xa5: {  	s25 =	simm.s32 $0x1B8E;
	s24 =	sld [smem:$0x3FFE];
	[sflag:s23] =	ssyncadd.s32 $0xFFFFFFFF  }
0xa6: {  	s26 =	simm.s32 $execute0_lowered;
	[smem:$0x3FD2] =	sst s25  }
0xa7: {  	s6 =	sshll.u32 s26, $0x1;
	_ =	strace $0x80000046;
	[dreg:$0x1] =	wrdreg $0xFFFFFFFF  }
0xa8: {  	s28 =	simm.s32 $_size_execute0_lowered;
	s4 =	sadd.s32 s4, s6;
	[dreg:$0x0] =	wrdreg $0x0  }
0xa9: {  	s6 =	sshll.u32 s28, $0x1;
	[dreg:$0x2] =	wrdreg s4  }
0xaa: {  	[dreg:$0x3] =	wrdreg s6  }
0xab: {  	[dreg:$0x4] =	wrdreg $0xC0  }
0xac: {  	_ =	task [dreg:s8], $0x5FFFF  }
0xad: {  	[dreg:$0x1] =	wrdreg $0xFFFFFFFF  }
0xae: {  	[dreg:$0x0] =	wrdreg $0x60  }
0xaf: {  	[dreg:$0x2] =	wrdreg s2  }
0xb0: {  	[dreg:$0x3] =	wrdreg s24  }
0xb1: {  	[dreg:$0x4] =	wrdreg s18  }
0xb2: {  	[dreg:$0x5] =	wrdreg $0xA8000  }
0xb3: {  	[dreg:$0x6] =	wrdreg $0x9  }
0xb4: {  	_ =	task.clear_ibuf [dreg:s8], $0x7FFFF;
	_ =	strace $0x90000046  }
0xb5: {  	s29 =	simm.s32 $0x9;
	_ =	strace $0x80000048  }
0xb6: {  	_ =	swait.ge [sflag:s29], $0x1  }
0xb7: {  	[sflag:s29] =	ssyncadd.s32 $0xFFFFFFFF  }
0xb8: {  	_ =	strace $0x90000048  }
0xb9: {  	_ =	sfence  }
0xba: {  	s30 =	sld [smem:$0x0];
	_ =	sdelay $0x2  }
0xbb: {  	s31 =	sshll.u32 s1, $0xD;
	s1 =	sshrl.u32 s1, $0x2  }
0xbc: {  	s3 =	sand.u32 $0x4000, s31;
	s1 =	sadd.s32 s1, s30  }
0xbd: {  	s0 =	sor.u32 s3, s0;
	s1 =	sshll.u32 s1, $0x11  }
0xbe: {  	s0 =	sor.u32 s1, s0  }
0xbf: {  	s0 =	sadd.s32 $0x8F2B, s0  }
0xc0: {  	[sflag:s0] =	ssyncadd.remote.s32 $0x1  }
0xc1: {  	_ =	sfence.sel $0xFFFF  }
0xc2: {  	[dreg:$0x0] =	wrdreg $0xFFFFFFFF;
	(pc) =	sbr.abs _section_cstart, $3  }
0xc3: {  	[dreg:$0x1] =	wrdreg $0xFFFFFFFF  }
0xc4: {  	_ =	task.clear_ibuf [dreg:s8], $0x2FFFF;
	_ =	strace $0x9FFFFFFF  }
0xc5: {  	(tm) =	ssettm $0x7FFFFFFF  }
tec
execute0_lowered:
.L_overlay_start_1:
0x0: {  	(tag) =	ssettag $0x1  }
0x1: {  	s1 =	rddreg [dreg:$0x0]  }
0x2: {  	s5 =	rddreg [dreg:$0x1]  }
0x3: {  	s7 =	rddreg [dreg:$0x2]  }
0x4: {  	s2 =	rddreg [dreg:$0x3]  }
0x5: {  	s4 =	simm.s32 $0x0;
	s6 =	srdreg.scid;
	s3 =	stileid.u32  }
0x6: {  	s19 =	simm.s32 $0x80;
	s28 =	simm.s32 $0x2780;
	s29 =	simm.s32 $0x0  }
0x7: {  	[smem:$0x7FF] =	sst s4;
	s6 =	sand.u32 $0x1, s6;
	s13 =	sadd.s32 $0x1200, s5  }
0x8: {  	s9 =	smul.u32 $0x4E000, s3;
	s14 =	sadd.s32 $0xB200, s5;
	s10 =	sadd.s32 $0x15200, s5  }
0x9: {  	s12 =	smul.u32 $0x13800, s3;
	s23 =	sshll.u32 s3, $0x6;
	s17 =	sadd.s32 $0x138000, s2  }
0xa: {  	p0 =	sne.s32 s3, $0xF;
	_ =	strace $0x80000047;
	s8 =	ssub.s32 $0x2, s6  }
0xb: {  	s11 =	sshll.u32 s6, $0x4;
	s24 =	smul.u32 $0x138800, s6;
	s6 =	sor.u32 $0x1C05, s23  }
0xc: {  	s17 =	sshrl.u32 @!p0 s17, $0x3;
	s23 =	simm.s32 $0x3;
	s20 =	sshrl.u32 s8, $0x1  }
0xd: {  	s9 =	sshrl.u32 s9, $0x2;
	s21 =	sor.u32 s3, s11;
	s22 =	sshrl.u32 s12, $0x3  }
0xe: {  	s15 =	ssub.s32 s8, s20;
	s16 =	sadd.s32 s9, s2;
	s5 =	sadd.s32 s7, s22  }
0xf: {  	s18 =	smul.u32 $0x2800, s21;
	s25 =	sadd.s32 s12, s24;
	s26 =	sshrl.u32 s24, $0x3  }
0x10: {  	s7 =	sadd.s32 $0x27000, s7;
	s20 =	simm.s32 $0x2800;
	s21 =	simm.s32 $0x6800  }
0x11: {  	s22 =	simm.s32 $0x1;
	s24 =	simm.s32 $0x2;
	s8 =	sshrl.u32 s25, $0x3  }
0x12: {  	s9 =	sadd.s32 s10, s26;
	s25 =	simm.s32 $0x4;
	s26 =	simm.s32 $0x2700  }
0x13: {  	s8 =	sadd.s32 s10, s8;
	s9 =	sadd.s32 $0x27000, s9;
	s30 =	sshrl.u32 s18, $0x3  }
0x14: {  	s10 =	smax.u32 s15, $0x1;
	s15 =	sshrl.u32 s16, $0x3;
	s16 =	simm.s32 $0x5  }
0x15: {  	s18 =	simm.s32 $0x1400;
	s11 =	sadd.s32 s13, s30;
	s31 =	sadd.s32 $0x280, s30  }
0x16: {  	s12 =	sadd.s32 s14, s30;
	s13 =	sadd.s32 s13, s31;
	s14 =	sadd.s32 s14, s31  }
.LBB2_1:
0x17: {  	[spmem:s15], [sflag:s6] =	dma.local [hbm:s5], $0x2700  }
0x18: {  	_ =	swait.ge [sflag:s16], $0x2700  }
0x19: {  	[sflag:s16] =	ssyncset.done $0x0  }
0x1a: {  	s30 =	simm.s32 @!p0 $0x5;
	[sflag:s16] =	ssyncadd.s32 $0xFFFFD900  }
0x1b: {  	[spmem:s17], [sflag:s6] =	dma.local @!p0 [hbm:s7], $0x100  }
0x1c: {  	_ =	swait.ge @!p0 [sflag:s30], $0x100  }
0x1d: {  	[sflag:s30] =	ssyncset.done @!p0 $0x0  }
0x1e: {  	[sflag:s30] =	ssyncadd.s32 @!p0 $0xFFFFFF00  }
0x1f: {  	[bflag:$0x0] =	sbarrier.arrive $0xFFFF  }
0x20: {  	[tilespmem:s4], [sflag:$0x5] =	stream.linear.gather [hbm4b:s11+s4], $0x1400, $0x38;
	[tilespmem:$0x1E780] =	vst v63  }
0x21: {  	_ =	swait.ge [sflag:s16], $0x1400  }
0x22: {  	[sflag:s16] =	ssyncset.done $0x0  }
0x23: {  	[sflag:s16] =	ssyncadd.s32 $0xFFFFEC00  }
0x24: {  	[tilespmem:s18], [sflag:$0x5] =	stream.linear.gather [hbm4b:s12+s4], $0x1400, $0x38;
	[tilespmem:$0x1E780] =	vst v63  }
0x25: {  	_ =	swait.ge [sflag:s16], $0x1400  }
0x26: {  	[sflag:s16] =	ssyncset.done $0x0  }
0x27: {  	[sflag:s16] =	ssyncadd.s32 $0xFFFFEC00  }
0x28: {  	[tilespmem:s20], [sflag:$0x1] =	stream.indirect.gather [hbm4b:s1+s19], $0x80, s4, s19, $0xb8;
	[tilespmem:$0x1E780] =	vst v63  }
0x29: {  	_ = 	snop  }
0x2a: {  	[tilespmem:s21], [sflag:$0x2] =	stream.indirect.gather [hbm4b:s1+s19], $0x80, s19, s19, $0xb8;
	[tilespmem:$0x1E780] =	vst v63  }
0x2b: {  	_ =	swait.ge [sflag:s22], $0x4000  }
0x2c: {  	[sflag:s22] =	ssyncset.done $0x0  }
0x2d: {  	s30 =	simm.s32 $0x1400;
	[sflag:s22] =	ssyncadd.s32 $0xFFFFC000  }
0x2e: {  	[spmem:s2] =	stream.indirect.scatter.add.f32 [tilespmem:s20], [sflag:$0x3], $0x80, s30, s19, $0xb8;
	[tilespmem:$0x1E780] =	vst v63  }
0x2f: {  	_ =	swait.ge [sflag:s23], $0x4000  }
0x30: {  	[sflag:s23] =	ssyncset.done $0x0  }
0x31: {  	s30 =	simm.s32 $0x100;
	[sflag:s23] =	ssyncadd.s32 $0xFFFFC000  }
0x32: {  	[tilespmem:s20], [sflag:$0x1] =	stream.indirect.gather [hbm4b:s1+s19], $0x80, s30, s19, $0xb8;
	[tilespmem:$0x1E780] =	vst v63  }
0x33: {  	_ =	swait.ge [sflag:s24], $0x4000  }
0x34: {  	[sflag:s24] =	ssyncset.done $0x0  }
0x35: {  	s30 =	simm.s32 $0x1480;
	[sflag:s24] =	ssyncadd.s32 $0xFFFFC000  }
0x36: {  	[spmem:s2] =	stream.indirect.scatter.add.f32 [tilespmem:s21], [sflag:$0x4], $0x80, s30, s19, $0xb8;
	[tilespmem:$0x1E780] =	vst v63  }
0x37: {  	_ =	swait.ge [sflag:s25], $0x4000  }
0x38: {  	[sflag:s25] =	ssyncset.done $0x0  }
0x39: {  	s31 =	simm.s32 $0x180;
	s30 =	simm.s32 $0x400;
	[sflag:s25] =	ssyncadd.s32 $0xFFFFC000  }
.LBB2_2:
0x3a: {  	[tilespmem:s21], [sflag:$0x2] =	stream.indirect.gather [hbm4b:s1+s19], $0x80, s31, s19, $0xb8;
	[tilespmem:$0x1E780] =	vst v63  }
0x3b: {  	s31 =	smov.u32 s30  }
0x3c: {  	p1 =	sne.s32 s30, $0x4800;
	s30 =	sadd.s32 $0x400, s30;
	_ =	swait.ge [sflag:s22], $0x4000  }
0x3d: {  	s31 =	sshra.s32 s31, $0x2;
	[sflag:s22] =	ssyncset.done $0x0  }
0x3e: {  	s0 =	sadd.s32 $0x1400, s31;
	[sflag:s22] =	ssyncadd.s32 $0xFFFFC000  }
0x3f: {  	[spmem:s2] =	stream.indirect.scatter.add.f32 [tilespmem:s20], [sflag:$0x3], $0x80, s0, s19, $0xb8;
	[tilespmem:$0x1E780] =	vst v63  }
0x40: {  	_ =	swait.ge [sflag:s23], $0x4000  }
0x41: {  	[sflag:s23] =	ssyncset.done $0x0  }
0x42: {  	s0 =	sadd.s32 $0x100, s31;
	[sflag:s23] =	ssyncadd.s32 $0xFFFFC000  }
0x43: {  	[tilespmem:s20], [sflag:$0x1] =	stream.indirect.gather [hbm4b:s1+s19], $0x80, s0, s19, $0xb8;
	[tilespmem:$0x1E780] =	vst v63  }
0x44: {  	_ =	swait.ge [sflag:s24], $0x4000  }
0x45: {  	[sflag:s24] =	ssyncset.done $0x0  }
.Ltmp0:
0x46: {  	s0 =	sadd.s32 $0x1480, s31;
	[sflag:s24] =	ssyncadd.s32 $0xFFFFC000;
	(pc) =	sbr.rel @p1 .LBB2_2-.Ltmp0, $4  }
0x47: {  	[spmem:s2] =	stream.indirect.scatter.add.f32 [tilespmem:s21], [sflag:$0x4], $0x80, s0, s19, $0xb8;
	[tilespmem:$0x1E780] =	vst v63  }
0x48: {  	_ =	swait.ge [sflag:s25], $0x4000  }
0x49: {  	[sflag:s25] =	ssyncset.done $0x0  }
0x4a: {  	s31 =	sadd.s32 $0x180, s31;
	[sflag:s25] =	ssyncadd.s32 $0xFFFFC000  }
0x4b: {  	[tilespmem:s21], [sflag:$0x2] =	stream.indirect.gather [hbm4b:s1+s19], $0x80, s31, s19, $0xb8;
	[tilespmem:$0x1E780] =	vst v63  }
0x4c: {  	_ =	swait.ge [sflag:s22], $0x4000  }
0x4d: {  	[sflag:s22] =	ssyncset.done $0x0  }
0x4e: {  	[sflag:s22] =	ssyncadd.s32 $0xFFFFC000  }
0x4f: {  	[spmem:s2] =	stream.indirect.scatter.add.f32 [tilespmem:s20], [sflag:$0x3], $0x80, s26, s19, $0xb8;
	[tilespmem:$0x1E780] =	vst v63  }
0x50: {  	_ =	swait.ge [sflag:s23], $0x4000  }
0x51: {  	[sflag:s23] =	ssyncset.done $0x0  }
0x52: {  	[sflag:s23] =	ssyncadd.s32 $0xFFFFC000  }
0x53: {  	_ =	swait.ge [sflag:s24], $0x4000  }
0x54: {  	[sflag:s24] =	ssyncset.done $0x0  }
0x55: {  	[sflag:s24] =	ssyncadd.s32 $0xFFFFC000  }
0x56: {  	[spmem:s2] =	stream.indirect.scatter.add.f32 [tilespmem:s21], [sflag:$0x4], $0x80, s28, s19, $0xb8;
	[tilespmem:$0x1E780] =	vst v63  }
0x57: {  	_ =	swait.ge [sflag:s25], $0x4000  }
0x58: {  	[sflag:s25] =	ssyncset.done $0x0  }
0x59: {  	s0 =	simm.s32 $0x0;
	[sflag:s25] =	ssyncadd.s32 $0xFFFFC000  }
0x5a: {  	[tilespmem:s0], [sflag:$0x5] =	stream.linear.gather [hbm4b:s13+s0], $0x1400, $0x38;
	[tilespmem:$0x1E780] =	vst v63  }
0x5b: {  	_ =	swait.ge [sflag:s16], $0x1400  }
0x5c: {  	[sflag:s16] =	ssyncset.done $0x0  }
0x5d: {  	[sflag:s16] =	ssyncadd.s32 $0xFFFFEC00  }
0x5e: {  	[tilespmem:s18], [sflag:$0x5] =	stream.linear.gather [hbm4b:s14+s0], $0x1400, $0x38;
	[tilespmem:$0x1E780] =	vst v63  }
0x5f: {  	_ =	swait.ge [sflag:s16], $0x1400  }
0x60: {  	[sflag:s16] =	ssyncset.done $0x0  }
0x61: {  	[sflag:s16] =	ssyncadd.s32 $0xFFFFEC00  }
0x62: {  	[tilespmem:s20], [sflag:$0x1] =	stream.indirect.gather [hbm4b:s1+s19], $0x80, s0, s19, $0xb8;
	[tilespmem:$0x1E780] =	vst v63  }
0x63: {  	_ = 	snop  }
0x64: {  	[tilespmem:s21], [sflag:$0x2] =	stream.indirect.gather [hbm4b:s1+s19], $0x80, s19, s19, $0xb8;
	[tilespmem:$0x1E780] =	vst v63  }
0x65: {  	_ =	swait.ge [sflag:s22], $0x4000  }
0x66: {  	[sflag:s22] =	ssyncset.done $0x0  }
0x67: {  	s0 =	simm.s32 $0x1400;
	[sflag:s22] =	ssyncadd.s32 $0xFFFFC000  }
0x68: {  	[spmem:s2] =	stream.indirect.scatter.add.f32 [tilespmem:s20], [sflag:$0x3], $0x80, s0, s19, $0xb8;
	[tilespmem:$0x1E780] =	vst v63  }
0x69: {  	_ =	swait.ge [sflag:s23], $0x4000  }
0x6a: {  	[sflag:s23] =	ssyncset.done $0x0  }
0x6b: {  	s0 =	simm.s32 $0x100;
	[sflag:s23] =	ssyncadd.s32 $0xFFFFC000  }
0x6c: {  	[tilespmem:s20], [sflag:$0x1] =	stream.indirect.gather [hbm4b:s1+s19], $0x80, s0, s19, $0xb8;
	[tilespmem:$0x1E780] =	vst v63  }
0x6d: {  	_ =	swait.ge [sflag:s24], $0x4000  }
0x6e: {  	[sflag:s24] =	ssyncset.done $0x0  }
0x6f: {  	s0 =	simm.s32 $0x1480;
	[sflag:s24] =	ssyncadd.s32 $0xFFFFC000  }
0x70: {  	[spmem:s2] =	stream.indirect.scatter.add.f32 [tilespmem:s21], [sflag:$0x4], $0x80, s0, s19, $0xb8;
	[tilespmem:$0x1E780] =	vst v63  }
0x71: {  	_ =	swait.ge [sflag:s25], $0x4000  }
0x72: {  	[sflag:s25] =	ssyncset.done $0x0  }
0x73: {  	s30 =	simm.s32 $0x400;
	s31 =	simm.s32 $0x180;
	[sflag:s25] =	ssyncadd.s32 $0xFFFFC000  }
.LBB2_4:
0x74: {  	[tilespmem:s21], [sflag:$0x2] =	stream.indirect.gather [hbm4b:s1+s19], $0x80, s31, s19, $0xb8;
	[tilespmem:$0x1E780] =	vst v63  }
0x75: {  	s0 =	smov.u32 s30  }
0x76: {  	p1 =	sne.s32 s30, $0x4800;
	s30 =	sadd.s32 $0x400, s30;
	_ =	swait.ge [sflag:s22], $0x4000  }
0x77: {  	s0 =	sshra.s32 s0, $0x2;
	[sflag:s22] =	ssyncset.done $0x0  }
0x78: {  	s31 =	sadd.s32 $0x1400, s0;
	[sflag:s22] =	ssyncadd.s32 $0xFFFFC000  }
0x79: {  	[spmem:s2] =	stream.indirect.scatter.add.f32 [tilespmem:s20], [sflag:$0x3], $0x80, s31, s19, $0xb8;
	[tilespmem:$0x1E780] =	vst v63  }
0x7a: {  	_ =	swait.ge [sflag:s23], $0x4000  }
0x7b: {  	[sflag:s23] =	ssyncset.done $0x0  }
0x7c: {  	s31 =	sadd.s32 $0x100, s0;
	[sflag:s23] =	ssyncadd.s32 $0xFFFFC000  }
0x7d: {  	[tilespmem:s20], [sflag:$0x1] =	stream.indirect.gather [hbm4b:s1+s19], $0x80, s31, s19, $0xb8;
	[tilespmem:$0x1E780] =	vst v63  }
0x7e: {  	_ =	swait.ge [sflag:s24], $0x4000  }
0x7f: {  	[sflag:s24] =	ssyncset.done $0x0  }
.Ltmp1:
0x80: {  	s31 =	sadd.s32 $0x1480, s0;
	[sflag:s24] =	ssyncadd.s32 $0xFFFFC000;
	(pc) =	sbr.rel @p1 .LBB2_4-.Ltmp1, $4  }
0x81: {  	[spmem:s2] =	stream.indirect.scatter.add.f32 [tilespmem:s21], [sflag:$0x4], $0x80, s31, s19, $0xb8;
	[tilespmem:$0x1E780] =	vst v63  }
0x82: {  	_ =	swait.ge [sflag:s25], $0x4000  }
0x83: {  	[sflag:s25] =	ssyncset.done $0x0  }
0x84: {  	s31 =	sadd.s32 $0x180, s0;
	[sflag:s25] =	ssyncadd.s32 $0xFFFFC000  }
0x85: {  	[tilespmem:s21], [sflag:$0x2] =	stream.indirect.gather [hbm4b:s1+s19], $0x80, s31, s19, $0xb8;
	[tilespmem:$0x1E780] =	vst v63  }
0x86: {  	_ =	swait.ge [sflag:s22], $0x4000  }
0x87: {  	[sflag:s22] =	ssyncset.done $0x0  }
0x88: {  	[sflag:s22] =	ssyncadd.s32 $0xFFFFC000  }
0x89: {  	[spmem:s2] =	stream.indirect.scatter.add.f32 [tilespmem:s20], [sflag:$0x3], $0x80, s26, s19, $0xb8;
	[tilespmem:$0x1E780] =	vst v63  }
0x8a: {  	_ =	swait.ge [sflag:s23], $0x4000  }
0x8b: {  	[sflag:s23] =	ssyncset.done $0x0  }
0x8c: {  	[sflag:s23] =	ssyncadd.s32 $0xFFFFC000  }
0x8d: {  	_ =	swait.ge [sflag:s24], $0x4000  }
0x8e: {  	[sflag:s24] =	ssyncset.done $0x0  }
0x8f: {  	[sflag:s24] =	ssyncadd.s32 $0xFFFFC000  }
0x90: {  	[spmem:s2] =	stream.indirect.scatter.add.f32 [tilespmem:s21], [sflag:$0x4], $0x80, s28, s19, $0xb8;
	[tilespmem:$0x1E780] =	vst v63  }
0x91: {  	_ =	swait.ge [sflag:s25], $0x4000  }
0x92: {  	[sflag:s25] =	ssyncset.done $0x0  }
0x93: {  	[sflag:s25] =	ssyncadd.s32 $0xFFFFC000  }
0x94: {  	[bflag:$0x0] =	sbarrier.arrive $0xFFFF  }
0x95: {  	[hbm:s8], [sflag:s6] =	dma.local [spmem:s15], $0x2700  }
0x96: {  	s29 =	sadd.s32 $0x1, s29;
	_ =	swait.ge [sflag:s16], $0x2700  }
0x97: {  	p1 =	sne.s32 s29, s10;
	[sflag:s16] =	ssyncset.done $0x0  }
.Ltmp2:
0x98: {  	s0 =	simm.s32 @!p0 $0x5;
	[sflag:s16] =	ssyncadd.s32 $0xFFFFD900;
	(pc) =	sbr.rel @p1 .LBB2_1-.Ltmp2, $4  }
0x99: {  	[hbm:s9], [sflag:s6] =	dma.local @!p0 [spmem:s17], $0x100  }
0x9a: {  	_ =	swait.ge @!p0 [sflag:s0], $0x100  }
0x9b: {  	[sflag:s0] =	ssyncset.done @!p0 $0x0  }
0x9c: {  	[sflag:s0] =	ssyncadd.s32 @!p0 $0xFFFFFF00  }
0x9d: {  	_ =	sfence.sel $0x180000  }
0x9e: {  	[bflag:$0x0] =	sbarrier.arrive $0xFFFF  }
0x9f: {  	_ =	strace $0x90000047  }
0xa0: {  	[bflag:$0x2] =	sbarrier.arrive $0xFFFF  }
0xa1: {  	p0 =	sne.s32 s3, $0x0;
	s0 =	rddreg [dreg:$0x4]  }
0xa2: {  	s0 =	sadd.s32 @!p0 $0x100000, s0  }
0xa3: {  	[sflag:s0] =	ssyncadd.tile.s32 @!p0 $0x1;
	_ =	shalt  }
.Lfunc_end2:
_tile_overlayer_lowered:
.L_overlay_start_2:
0xa4: {  	(tag) =	ssettag $0x2  }
0xa5: {  	s0 =	rddreg [dreg:$0x0];
	s2 =	stileid.u32  }
0xa6: {  	s1 =	rddreg [dreg:$0x1];
	p0 =	sne.s32 s2, $0x0  }
0xa7: {  	s3 =	rddreg [dreg:$0x2];
	[bflag:$0x3] =	sbarrier.arrive $0xFFFF;
	s2 =	simm.s32 @!p0 $0x1C05  }
0xa8: {  	[timem:s3], [sflag:s2] =	dma.local @!p0 [hbm:s0], s1  }
0xa9: {  	s0 =	simm.s32 @!p0 $0x5  }
0xaa: {  	_ =	swait.ge @!p0 [sflag:s0], s1  }
0xab: {  	s1 =	ssub.s32 @!p0 $0x0, s1;
	[sflag:s0] =	ssyncset.done @!p0 $0x0  }
0xac: {  	[sflag:s0] =	ssyncadd.s32 @!p0 s1  }
0xad: {  	[bflag:$0x3] =	sbarrier.arrive $0xFFFF  }
0xae: {  	_ =	shalt  }

</sc_bundles>
